<compile_context>
chip_gen: v7x
topology: tpu7x:2x2x1
jax: 0.10.2.dev20260603
libtpu: 0.0.44.dev20260713+nightly
codegen_flags: <defaults>
</compile_context>

<pallas_src>
import functools

import jax
import jax.numpy as jnp
from jax import lax
from jax.experimental import pallas as pl
from jax.experimental.pallas import tpu as pltpu
from jax.experimental.pallas import tpu_sc as plsc

F = 128
NP = 10240
NTILES = 32
CH = 1600
DCH = 2000
VB = 1024
FBIG = 3.0e38

_MESH = plsc.VectorSubcoreMesh(
    core_axis_name="c", subcore_axis_name="s", num_cores=2, num_subcores=16)


def _wid():
  return lax.axis_index("s") * 2 + lax.axis_index("c")


def _fill(ref, value):
  v = jnp.full((16,), value, jnp.float32)

  def body(i, _):
    ref[pl.ds(i * 16, 16)] = v
    return 0

  lax.fori_loop(0, NP // 16, body, 0)


def _sort_prep(dv, sv, iota):
  dvs, perm = plsc.sort_key_val(dv, iota)
  svs = jnp.take_along_axis(sv, perm, axis=0)
  pidx = []
  for k in (1, 2, 4, 8):
    idxk = jnp.maximum(iota - k, 0)
    same = dvs == jnp.take_along_axis(dvs, idxk, axis=0)
    pidx.append(jnp.where(same, idxk, iota))
  nxt = jnp.take_along_axis(dvs, jnp.minimum(iota + 1, 15), axis=0)
  isend = (dvs != nxt) | (iota == 15)
  return dvs, svs, pidx, isend


def _feature_visit(ar, br, sr, qr, xr, nr, dvs, svs, pidx, isend):
  av = plsc.load_gather(ar, [dvs])
  bv = plsc.load_gather(br, [svs])
  m = jnp.maximum(av + bv, 0.0)
  plsc.addupdate_scatter(sr, [dvs], m)
  plsc.addupdate_scatter(qr, [dvs], m * m)
  g1 = jnp.take_along_axis(m, pidx[0], axis=0)
  rmax = jnp.maximum(m, g1)
  rmin = jnp.minimum(m, g1)
  for px in pidx[1:]:
    rmax = jnp.maximum(rmax, jnp.take_along_axis(rmax, px, axis=0))
    rmin = jnp.minimum(rmin, jnp.take_along_axis(rmin, px, axis=0))
  cx = plsc.load_gather(xr, [dvs])
  plsc.store_scatter(xr, [dvs], jnp.maximum(cx, rmax), mask=isend)
  cn = plsc.load_gather(nr, [dvs])
  plsc.store_scatter(nr, [dvs], jnp.minimum(cn, rmin), mask=isend)




def _degcnt_body(src_hbm, dst_hbm, deg_out, cnt_out, dacc, cacc, sbuf, dbuf):
  wid = _wid()
  e = src_hbm.shape[0]
  per = e // NTILES
  _fill(dacc, 0.0)
  _fill(cacc, 0.0)
  ones = jnp.ones((16,), jnp.float32)

  def chunk(c, _):
    base = wid * per + c * DCH
    pltpu.sync_copy(src_hbm.at[pl.ds(base, DCH)], sbuf)
    pltpu.sync_copy(dst_hbm.at[pl.ds(base, DCH)], dbuf)

    def vloop(i, _):
      sv = sbuf[pl.ds(i * 16, 16)]
      dv = dbuf[pl.ds(i * 16, 16)]
      plsc.addupdate_scatter(dacc, [sv], ones)
      plsc.addupdate_scatter(cacc, [dv], ones)
      return 0

    lax.fori_loop(0, DCH // 16, vloop, 0)
    return 0

  lax.fori_loop(0, per // DCH, chunk, 0)
  pltpu.sync_copy(dacc, deg_out.at[wid])
  pltpu.sync_copy(cacc, cnt_out.at[wid])


@jax.jit
def _degcnt(src, dst):
  return pl.kernel(
      _degcnt_body,
      out_type=(
          jax.ShapeDtypeStruct((NTILES, NP), jnp.float32),
          jax.ShapeDtypeStruct((NTILES, NP), jnp.float32),
      ),
      mesh=_MESH,
      compiler_params=pltpu.CompilerParams(needs_layout_passes=False),
      scratch_types=[
          pltpu.VMEM((NP,), jnp.float32),
          pltpu.VMEM((NP,), jnp.float32),
          pltpu.VMEM((DCH,), jnp.int32),
          pltpu.VMEM((DCH,), jnp.int32),
      ],
  )(src, dst)




def _stats_body(at_hbm, bt_hbm, src_hbm, dst_hbm, s_out, q_out, x_out, n_out,
                a0, a1, b0, b1, s0, s1, q0, q1, x0, x1, n0, n1,
                sb0, sb1, db0, db1, ss0, ss1, sd0, sd1):
  wid = _wid()
  e = src_hbm.shape[0]
  iota = lax.iota(jnp.int32, 16)
  nch = e // CH

  def start(c, sbuf, dbuf, ssem, dsem):
    pltpu.async_copy(src_hbm.at[pl.ds(c * CH, CH)], sbuf, ssem)
    pltpu.async_copy(dst_hbm.at[pl.ds(c * CH, CH)], dbuf, dsem)

  def wait(c, sbuf, dbuf, ssem, dsem):
    pltpu.make_async_copy(src_hbm.at[pl.ds(c * CH, CH)], sbuf, ssem).wait()
    pltpu.make_async_copy(dst_hbm.at[pl.ds(c * CH, CH)], dbuf, dsem).wait()

  def process(sbuf, dbuf):
    def vloop(i, _):
      off = i * 64
      preps = []
      for u in range(4):
        svu = sbuf[pl.ds(off + u * 16, 16)]
        dvu = dbuf[pl.ds(off + u * 16, 16)]
        preps.append(_sort_prep(dvu, svu, iota))
      for pu in preps:
        _feature_visit(a0, b0, s0, q0, x0, n0, *pu)
        _feature_visit(a1, b1, s1, q1, x1, n1, *pu)
      return 0

    lax.fori_loop(0, CH // 64, vloop, 0)

  for slab in range(2):
    f0 = slab * 64 + 2 * wid
    pltpu.sync_copy(at_hbm.at[f0], a0)
    pltpu.sync_copy(at_hbm.at[f0 + 1], a1)
    pltpu.sync_copy(bt_hbm.at[f0], b0)
    pltpu.sync_copy(bt_hbm.at[f0 + 1], b1)
    for r in (s0, s1, q0, q1):
      _fill(r, 0.0)
    for r in (x0, x1):
      _fill(r, -FBIG)
    for r in (n0, n1):
      _fill(r, FBIG)

    start(0, sb0, db0, ss0, sd0)

    def pair(i, _):
      c0 = 2 * i
      start(c0 + 1, sb1, db1, ss1, sd1)
      wait(c0, sb0, db0, ss0, sd0)
      process(sb0, db0)

      @pl.when(i + 1 < nch // 2)
      def _():
        start(c0 + 2, sb0, db0, ss0, sd0)

      wait(c0 + 1, sb1, db1, ss1, sd1)
      process(sb1, db1)
      return 0

    lax.fori_loop(0, nch // 2, pair, 0)
    pltpu.sync_copy(s0, s_out.at[f0])
    pltpu.sync_copy(s1, s_out.at[f0 + 1])
    pltpu.sync_copy(q0, q_out.at[f0])
    pltpu.sync_copy(q1, q_out.at[f0 + 1])
    pltpu.sync_copy(x0, x_out.at[f0])
    pltpu.sync_copy(x1, x_out.at[f0 + 1])
    pltpu.sync_copy(n0, n_out.at[f0])
    pltpu.sync_copy(n1, n_out.at[f0 + 1])


@jax.jit
def _stats(at, bt, src, dst):
  fvec = lambda: pltpu.VMEM((NP,), jnp.float32)
  return pl.kernel(
      _stats_body,
      out_type=tuple(
          jax.ShapeDtypeStruct((F, NP), jnp.float32) for _ in range(4)),
      mesh=_MESH,
      compiler_params=pltpu.CompilerParams(needs_layout_passes=False),
      scratch_types=[fvec() for _ in range(12)] + [
          pltpu.VMEM((CH,), jnp.int32),
          pltpu.VMEM((CH,), jnp.int32),
          pltpu.VMEM((CH,), jnp.int32),
          pltpu.VMEM((CH,), jnp.int32),
          pltpu.SemaphoreType.DMA,
          pltpu.SemaphoreType.DMA,
          pltpu.SemaphoreType.DMA,
          pltpu.SemaphoreType.DMA,
      ],
  )(at, bt, src, dst)




def _vecs_body(n_real, degp_ref, cntp_ref, vecs_ref):
  deg = jnp.sum(degp_ref[...], axis=0, keepdims=True)
  cnt = jnp.sum(cntp_ref[...], axis=0, keepdims=True)
  degc = jnp.maximum(deg, 1.0)
  logd = jnp.log(degc + 1.0)
  mask = lax.broadcasted_iota(jnp.int32, (1, NP), 1) < n_real
  delta = jnp.sum(jnp.where(mask, logd, 0.0)) / float(n_real)
  amp = logd / delta
  att = delta / logd
  inv = 1.0 / jnp.maximum(cnt, 1.0)
  has = jnp.where(cnt > 0.0, 1.0, 0.0)
  vecs_ref[...] = jnp.concatenate([inv, has, amp, att], axis=0)


@functools.partial(jax.jit, static_argnums=(2,))
def _vecs(degp, cntp, n_real):
  return pl.pallas_call(
      functools.partial(_vecs_body, int(n_real)),
      out_shape=jax.ShapeDtypeStruct((4, NP), jnp.float32),
  )(degp, cntp)


def _ab_body(w1_ref, w2_ref, bpre_ref, ht_ref, at_ref, bt_ref):
  ht = ht_ref[...]
  dims = (((0,), (0,)), ((), ()))
  at_ref[...] = lax.dot_general(
      w1_ref[...], ht, dims, preferred_element_type=jnp.float32)
  bt_ref[...] = lax.dot_general(
      w2_ref[...], ht, dims, preferred_element_type=jnp.float32) + bpre_ref[...]


@jax.jit
def _ab(w1, w2, bpre_col, ht):
  return pl.pallas_call(
      _ab_body,
      grid=(NP // VB,),
      in_specs=[
          pl.BlockSpec((F, F), lambda i: (0, 0)),
          pl.BlockSpec((F, F), lambda i: (0, 0)),
          pl.BlockSpec((F, 1), lambda i: (0, 0)),
          pl.BlockSpec((F, VB), lambda i: (0, i)),
      ],
      out_specs=[
          pl.BlockSpec((F, VB), lambda i: (0, i)),
          pl.BlockSpec((F, VB), lambda i: (0, i)),
      ],
      out_shape=[
          jax.ShapeDtypeStruct((F, NP), jnp.float32),
          jax.ShapeDtypeStruct((F, NP), jnp.float32),
      ],
  )(w1, w2, bpre_col, ht)


def _combine_body(wpost_ref, bpost_ref, vecs_ref, s_ref, q_ref, x_ref, n_ref,
                  ht_ref, out_ref):
  inv = vecs_ref[0:1, :]
  has = vecs_ref[1:2, :]
  amp = vecs_ref[2:3, :]
  att = vecs_ref[3:4, :]
  mean = s_ref[...] * inv
  var = jnp.maximum(q_ref[...] * inv - mean * mean, 0.0)
  std = jnp.sqrt(var + 1e-5)
  mx = jnp.where(has > 0.0, x_ref[...], 0.0)
  mn = jnp.where(has > 0.0, n_ref[...], 0.0)
  stats = (mean, mx, mn, std)
  dims = (((0,), (0,)), ((), ()))

  def block(j, stat):
    return lax.dot_general(
        wpost_ref[j * F:(j + 1) * F, :], stat, dims,
        preferred_element_type=jnp.float32)

  acc0 = block(0, mean) + block(1, mx) + block(2, mn) + block(3, std)
  acc1 = block(4, mean) + block(5, mx) + block(6, mn) + block(7, std)
  acc2 = block(8, mean) + block(9, mx) + block(10, mn) + block(11, std)
  out_ref[...] = acc0 + amp * acc1 + att * acc2 + bpost_ref[...] + ht_ref[...]


@jax.jit
def _combine(wpost, bpost_col, vecs, s, q, x, n, ht):
  blk = lambda: pl.BlockSpec((F, VB), lambda i: (0, i))
  sblk = blk
  return pl.pallas_call(
      _combine_body,
      grid=(NP // VB,),
      in_specs=[
          pl.BlockSpec((12 * F, F), lambda i: (0, 0)),
          pl.BlockSpec((F, 1), lambda i: (0, 0)),
          pl.BlockSpec((4, VB), lambda i: (0, i)),
          sblk(), sblk(), sblk(), sblk(), blk(),
      ],
      out_specs=blk(),
      out_shape=jax.ShapeDtypeStruct((F, NP), jnp.float32),
  )(wpost, bpost_col, vecs, s, q, x, n, ht)




def kernel(x, edge_index, Wpre0, bpre0, Wpost0, bpost0, Wpre1, bpre1, Wpost1,
           bpost1, Wpre2, bpre2, Wpost2, bpost2):
  n = x.shape[0]
  src = edge_index[0]
  dst = edge_index[1]
  ht = jnp.pad(x.T, ((0, 0), (0, NP - n)))

  degp, cntp = _degcnt(src, dst)
  vecs = _vecs(degp, cntp, n)

  for (wpre, bpre, wpost, bpost) in (
      (Wpre0, bpre0, Wpost0, bpost0),
      (Wpre1, bpre1, Wpost1, bpost1),
      (Wpre2, bpre2, Wpost2, bpost2),
  ):
    at, bt = _ab(wpre[:F], wpre[F:], bpre.reshape(F, 1), ht)
    s, q, mx, mn = _stats(at, bt, src, dst)
    ht = _combine(wpost, bpost.reshape(F, 1), vecs, s, q, mx, mn, ht)

  return ht[:, :n].T

# --- scband reference (transcript-rebuilt; emitter-appended) ---
"""Pipeline reference for scband-conditioned-pna-6012954214821 (READ-ONLY COPY).

The authoritative reference and input builder live on the scoring server;
editing this copy changes nothing except your own understanding.
"""

import jax, jax.numpy as jnp
import numpy as np

N = 10000
E = 320000
F = 128
L = 3

def _pna_layer(h, src, dst, deg, delta, Wpre, bpre, Wpost, bpost):
    n = h.shape[0]
    m = jax.nn.relu(jnp.concatenate([h[dst], h[src]], axis=-1) @ Wpre + bpre)
    ones = jnp.ones((m.shape[0],), dtype=m.dtype)
    cnt = jax.ops.segment_sum(ones, dst, num_segments=n)
    cntc = jnp.clip(cnt, 1.0, None)[:, None]
    s = jax.ops.segment_sum(m, dst, num_segments=n)
    mean = s / cntc
    sq = jax.ops.segment_sum(m * m, dst, num_segments=n)
    var = jnp.clip(sq / cntc - mean * mean, 0.0, None)
    std = jnp.sqrt(var + 1e-5)
    mx = jax.ops.segment_max(m, dst, num_segments=n)
    mn = -jax.ops.segment_max(-m, dst, num_segments=n)
    has = (cnt > 0.0)[:, None]
    mx = jnp.where(has, mx, 0.0)
    mn = jnp.where(has, mn, 0.0)
    aggr = jnp.concatenate([mean, mx, mn, std], axis=-1)
    logd = jnp.log(deg + 1.0)
    amp = (logd / delta)[:, None]
    att = (delta / logd)[:, None]
    scaled = jnp.concatenate([aggr, aggr * amp, aggr * att], axis=-1)
    return scaled @ Wpost + bpost

def setup_inputs(seed: int = 0):
    key = jax.random.key(seed)
    ks = jax.random.split(key, 2 + 2 * L)
    inp = {}
    inp["x"] = jax.random.normal(ks[0], (N, F), dtype=jnp.float32)
    inp["edge_index"] = jax.random.randint(ks[1], (2, E), 0, N, dtype=jnp.int32)
    for i in range(L):
        inp["Wpre%d" % i] = jax.random.normal(ks[2 + 2 * i], (2 * F, F), dtype=jnp.float32) * (1.0 / np.sqrt(2 * F))
        inp["bpre%d" % i] = jnp.zeros((F,), dtype=jnp.float32)
        inp["Wpost%d" % i] = jax.random.normal(ks[3 + 2 * i], (12 * F, F), dtype=jnp.float32) * (1.0 / np.sqrt(12 * F))
        inp["bpost%d" % i] = jnp.zeros((F,), dtype=jnp.float32)
    return inp

def reference(x, edge_index, Wpre0, bpre0, Wpost0, bpost0, Wpre1, bpre1, Wpost1, bpost1, Wpre2, bpre2, Wpost2, bpost2):
    src = edge_index[0]
    dst = edge_index[1]
    n = x.shape[0]
    deg = jax.ops.segment_sum(jnp.ones((src.shape[0],), jnp.float32), src, num_segments=n)
    deg = jnp.clip(deg, 1.0, None)
    delta = jnp.mean(jnp.log(deg + 1.0))
    h = x
    params = [(Wpre0, bpre0, Wpost0, bpost0), (Wpre1, bpre1, Wpost1, bpost1), (Wpre2, bpre2, Wpost2, bpost2)]
    for (Wpre, bpre, Wpost, bpost) in params:
        h = _pna_layer(h, src, dst, deg, delta, Wpre, bpre, Wpost, bpost) + h
    return h

if __name__ == "__main__":
    import jax
    _d = setup_inputs()
    print(jax.jit(kernel)(*tuple(_d.values())))

</pallas_src>

<mosaic_0001>
#map = affine_map<(d0, d1) -> (0)>
#map1 = affine_map<(d0, d1) -> (0, 0)>
module attributes {stable_mosaic.version = 14 : i64} {
  func.func @_degcnt_body(%arg0: i32, %arg1: i32, %arg2: memref<320000xi32, #tpu.memory_space<hbm>>, %arg3: memref<320000xi32, #tpu.memory_space<hbm>>, %arg4: memref<32x10240xf32, #tpu.memory_space<hbm>>, %arg5: memref<32x10240xf32, #tpu.memory_space<hbm>>, %arg6: memref<10240xf32, #tpu.memory_space<vmem>>, %arg7: memref<10240xf32, #tpu.memory_space<vmem>>, %arg8: memref<2000xi32, #tpu.memory_space<vmem>>, %arg9: memref<2000xi32, #tpu.memory_space<vmem>>) attributes {dimension_semantics = [#tpu.dimension_semantics<core_parallel>, #tpu.dimension_semantics<subcore_parallel>], iteration_bounds = array<i64: 2, 16>, scalar_prefetch = 0 : i64, scratch_operands = 4 : i64, tpu.core_type = #tpu.core_type<sc_vector_subcore>, window_params = [{transform_indices = #map}, {transform_indices = #map}, {transform_indices = #map1}, {transform_indices = #map1}]} {
    %mul3A = arith.constant 2 : i32
    %mul3A_0 = arith.muli %arg1, %mul3A : i32
    %add3A = arith.addi %mul3A_0, %arg0 : i32
    %broadcast_in_dim3A = arith.constant 0.000000e+00 : f32
    %broadcast_in_dim3A_1 = vector.broadcast %broadcast_in_dim3A : f32 to vector<16xf32>
    %scan3A = arith.constant 0 : i32
    %scan3A_2 = arith.constant 0 : i32
    %scan3A_3 = arith.constant 640 : i32
    %scan3A_4 = arith.addi %scan3A_2, %scan3A_3 : i32
    %scan3A_5 = arith.constant 1 : i32
    %scan3A_6 = scf.for %scan3A_26 = %scan3A_2 to %scan3A_4 step %scan3A_5 iter_args(%scan3A_27 = %scan3A) -> (i32)  : i32 {
      %mul3A_28 = arith.constant 16 : i32
      %mul3A_29 = arith.muli %scan3A_26, %mul3A_28 : i32
      %swap3A = arith.index_cast %mul3A_29 : i32 to index
      %swap3A_30 = tpu.vector_load %arg6[%swap3A] {strides = array<i32>} : memref<10240xf32, #tpu.memory_space<vmem>>, vector<16xf32>,
      tpu.vector_store %arg6[%swap3A], %broadcast_in_dim3A_1 {strides = array<i32>} : memref<10240xf32, #tpu.memory_space<vmem>>, vector<16xf32>,
      %scan3A_31 = arith.constant 0 : i32
      scf.yield %scan3A_31 : i32
    }
    %scan3A_7 = arith.constant 640 : i32
    %broadcast_in_dim3A_8 = arith.constant 0.000000e+00 : f32
    %broadcast_in_dim3A_9 = vector.broadcast %broadcast_in_dim3A_8 : f32 to vector<16xf32>
    %scan3A_10 = arith.constant 0 : i32
    %scan3A_11 = arith.constant 0 : i32
    %scan3A_12 = arith.constant 640 : i32
    %scan3A_13 = arith.addi %scan3A_11, %scan3A_12 : i32
    %scan3A_14 = arith.constant 1 : i32
    %scan3A_15 = scf.for %scan3A_26 = %scan3A_11 to %scan3A_13 step %scan3A_14 iter_args(%scan3A_27 = %scan3A_10) -> (i32)  : i32 {
      %mul3A_28 = arith.constant 16 : i32
      %mul3A_29 = arith.muli %scan3A_26, %mul3A_28 : i32
      %swap3A = arith.index_cast %mul3A_29 : i32 to index
      %swap3A_30 = tpu.vector_load %arg7[%swap3A] {strides = array<i32>} : memref<10240xf32, #tpu.memory_space<vmem>>, vector<16xf32>,
      tpu.vector_store %arg7[%swap3A], %broadcast_in_dim3A_9 {strides = array<i32>} : memref<10240xf32, #tpu.memory_space<vmem>>, vector<16xf32>,
      %scan3A_31 = arith.constant 0 : i32
      scf.yield %scan3A_31 : i32
    }
    %scan3A_16 = arith.constant 640 : i32
    %broadcast_in_dim3A_17 = arith.constant 1.000000e+00 : f32
    %broadcast_in_dim3A_18 = vector.broadcast %broadcast_in_dim3A_17 : f32 to vector<16xf32>
    %scan3A_19 = arith.constant 0 : i32
    %scan3A_20 = arith.constant 0 : i32
    %scan3A_21 = arith.constant 5 : i32
    %scan3A_22 = arith.addi %scan3A_20, %scan3A_21 : i32
    %scan3A_23 = arith.constant 1 : i32
    %scan3A_24 = scf.for %scan3A_26 = %scan3A_20 to %scan3A_22 step %scan3A_23 iter_args(%scan3A_27 = %scan3A_19) -> (i32)  : i32 {
      %mul3A_28 = arith.constant 10000 : i32
      %mul3A_29 = arith.muli %add3A, %mul3A_28 : i32
      %mul3A_30 = arith.constant 2000 : i32
      %mul3A_31 = arith.muli %scan3A_26, %mul3A_30 : i32
      %add3A_32 = arith.addi %mul3A_29, %mul3A_31 : i32
      "tpu.region"() ({
        %run_scoped3A = tpu.sem_alloc : memref<!tpu.dma_semaphore, #tpu.memory_space<semaphore_mem>>
        %dma_start3A = tpu.memref_slice %arg2[%add3A_32] : memref<320000xi32, #tpu.memory_space<hbm>> -> memref<2000xi32, #tpu.memory_space<hbm>>
        %dma_start3A_41 = tpu.memref_slice %arg2[%add3A_32] : memref<320000xi32, #tpu.memory_space<hbm>> -> memref<2000xi32, #tpu.memory_space<hbm>>
        tpu.enqueue_dma source(%dma_start3A_41 : memref<2000xi32, #tpu.memory_space<hbm>>) target(%arg8 : memref<2000xi32, #tpu.memory_space<vmem>>) target_semaphore(%run_scoped3A : memref<!tpu.dma_semaphore, #tpu.memory_space<semaphore_mem>>)
        %dma_wait3A = tpu.memref_slice %arg2[%add3A_32] : memref<320000xi32, #tpu.memory_space<hbm>> -> memref<2000xi32, #tpu.memory_space<hbm>>
        %dma_wait3A_42 = tpu.memref_slice %arg2[%add3A_32] : memref<320000xi32, #tpu.memory_space<hbm>> -> memref<2000xi32, #tpu.memory_space<hbm>>
        tpu.wait_dma2 semaphore(%run_scoped3A : memref<!tpu.dma_semaphore, #tpu.memory_space<semaphore_mem>>) src(%dma_wait3A_42 : memref<2000xi32, #tpu.memory_space<hbm>>) dst(%arg8 : memref<2000xi32, #tpu.memory_space<vmem>>)
        tpu.yield
      }) : () -> ()
      "tpu.region"() ({
        %run_scoped3A = tpu.sem_alloc : memref<!tpu.dma_semaphore, #tpu.memory_space<semaphore_mem>>
        %dma_start3A = tpu.memref_slice %arg3[%add3A_32] : memref<320000xi32, #tpu.memory_space<hbm>> -> memref<2000xi32, #tpu.memory_space<hbm>>
        %dma_start3A_41 = tpu.memref_slice %arg3[%add3A_32] : memref<320000xi32, #tpu.memory_space<hbm>> -> memref<2000xi32, #tpu.memory_space<hbm>>
        tpu.enqueue_dma source(%dma_start3A_41 : memref<2000xi32, #tpu.memory_space<hbm>>) target(%arg9 : memref<2000xi32, #tpu.memory_space<vmem>>) target_semaphore(%run_scoped3A : memref<!tpu.dma_semaphore, #tpu.memory_space<semaphore_mem>>)
        %dma_wait3A = tpu.memref_slice %arg3[%add3A_32] : memref<320000xi32, #tpu.memory_space<hbm>> -> memref<2000xi32, #tpu.memory_space<hbm>>
        %dma_wait3A_42 = tpu.memref_slice %arg3[%add3A_32] : memref<320000xi32, #tpu.memory_space<hbm>> -> memref<2000xi32, #tpu.memory_space<hbm>>
        tpu.wait_dma2 semaphore(%run_scoped3A : memref<!tpu.dma_semaphore, #tpu.memory_space<semaphore_mem>>) src(%dma_wait3A_42 : memref<2000xi32, #tpu.memory_space<hbm>>) dst(%arg9 : memref<2000xi32, #tpu.memory_space<vmem>>)
        tpu.yield
      }) : () -> ()
      %scan3A_33 = arith.constant 0 : i32
      %scan3A_34 = arith.constant 0 : i32
      %scan3A_35 = arith.constant 125 : i32
      %scan3A_36 = arith.addi %scan3A_34, %scan3A_35 : i32
      %scan3A_37 = arith.constant 1 : i32
      %scan3A_38 = scf.for %scan3A_41 = %scan3A_34 to %scan3A_36 step %scan3A_37 iter_args(%scan3A_42 = %scan3A_33) -> (i32)  : i32 {
        %mul3A_43 = arith.constant 16 : i32
        %mul3A_44 = arith.muli %scan3A_41, %mul3A_43 : i32
        %get3A = arith.index_cast %mul3A_44 : i32 to index
        %get3A_45 = tpu.vector_load %arg8[%get3A] {strides = array<i32>} : memref<2000xi32, #tpu.memory_space<vmem>>, vector<16xi32>,
        %mul3A_46 = arith.constant 16 : i32
        %mul3A_47 = arith.muli %scan3A_41, %mul3A_46 : i32
        %get3A_48 = arith.index_cast %mul3A_47 : i32 to index
        %get3A_49 = tpu.vector_load %arg9[%get3A_48] {strides = array<i32>} : memref<2000xi32, #tpu.memory_space<vmem>>, vector<16xi32>,
        tpu.vector_store_idx %arg6[%get3A_45], %broadcast_in_dim3A_18 {add = true} : memref<10240xf32, #tpu.memory_space<vmem>>[vector<16xi32>], vector<16xf32>,
        tpu.vector_store_idx %arg7[%get3A_49], %broadcast_in_dim3A_18 {add = true} : memref<10240xf32, #tpu.memory_space<vmem>>[vector<16xi32>], vector<16xf32>,
        %scan3A_50 = arith.constant 0 : i32
        scf.yield %scan3A_50 : i32
      }
      %scan3A_39 = arith.constant 125 : i32
      %scan3A_40 = arith.constant 0 : i32
      scf.yield %scan3A_40 : i32
    }
    %scan3A_25 = arith.constant 5 : i32
    "tpu.region"() ({
      %run_scoped3A = tpu.sem_alloc : memref<!tpu.dma_semaphore, #tpu.memory_space<semaphore_mem>>
      %dma_start3A = arith.constant 0 : i32
      %dma_start3A_26 = tpu.memref_slice %arg4[%add3A, %dma_start3A] : memref<32x10240xf32, #tpu.memory_space<hbm>> -> memref<1x10240xf32, #tpu.memory_space<hbm>>
      %dma_start3A_27 = tpu.memref_squeeze %dma_start3A_26 : memref<1x10240xf32, #tpu.memory_space<hbm>> -> memref<10240xf32, #tpu.memory_space<hbm>>
      %dma_start3A_28 = arith.constant 0 : i32
      %dma_start3A_29 = tpu.memref_slice %arg4[%add3A, %dma_start3A_28] : memref<32x10240xf32, #tpu.memory_space<hbm>> -> memref<1x10240xf32, #tpu.memory_space<hbm>>
      %dma_start3A_30 = tpu.memref_squeeze %dma_start3A_29 : memref<1x10240xf32, #tpu.memory_space<hbm>> -> memref<10240xf32, #tpu.memory_space<hbm>>
      tpu.enqueue_dma source(%arg6 : memref<10240xf32, #tpu.memory_space<vmem>>) target(%dma_start3A_30 : memref<10240xf32, #tpu.memory_space<hbm>>) target_semaphore(%run_scoped3A : memref<!tpu.dma_semaphore, #tpu.memory_space<semaphore_mem>>)
      %dma_wait3A = arith.constant 0 : i32
      %dma_wait3A_31 = tpu.memref_slice %arg4[%add3A, %dma_wait3A] : memref<32x10240xf32, #tpu.memory_space<hbm>> -> memref<1x10240xf32, #tpu.memory_space<hbm>>
      %dma_wait3A_32 = tpu.memref_squeeze %dma_wait3A_31 : memref<1x10240xf32, #tpu.memory_space<hbm>> -> memref<10240xf32, #tpu.memory_space<hbm>>
      %dma_wait3A_33 = arith.constant 0 : i32
      %dma_wait3A_34 = tpu.memref_slice %arg4[%add3A, %dma_wait3A_33] : memref<32x10240xf32, #tpu.memory_space<hbm>> -> memref<1x10240xf32, #tpu.memory_space<hbm>>
      %dma_wait3A_35 = tpu.memref_squeeze %dma_wait3A_34 : memref<1x10240xf32, #tpu.memory_space<hbm>> -> memref<10240xf32, #tpu.memory_space<hbm>>
      tpu.wait_dma2 semaphore(%run_scoped3A : memref<!tpu.dma_semaphore, #tpu.memory_space<semaphore_mem>>) src(%arg6 : memref<10240xf32, #tpu.memory_space<vmem>>) dst(%dma_wait3A_35 : memref<10240xf32, #tpu.memory_space<hbm>>)
      tpu.yield
    }) : () -> ()
    "tpu.region"() ({
      %run_scoped3A = tpu.sem_alloc : memref<!tpu.dma_semaphore, #tpu.memory_space<semaphore_mem>>
      %dma_start3A = arith.constant 0 : i32
      %dma_start3A_26 = tpu.memref_slice %arg5[%add3A, %dma_start3A] : memref<32x10240xf32, #tpu.memory_space<hbm>> -> memref<1x10240xf32, #tpu.memory_space<hbm>>
      %dma_start3A_27 = tpu.memref_squeeze %dma_start3A_26 : memref<1x10240xf32, #tpu.memory_space<hbm>> -> memref<10240xf32, #tpu.memory_space<hbm>>
      %dma_start3A_28 = arith.constant 0 : i32
      %dma_start3A_29 = tpu.memref_slice %arg5[%add3A, %dma_start3A_28] : memref<32x10240xf32, #tpu.memory_space<hbm>> -> memref<1x10240xf32, #tpu.memory_space<hbm>>
      %dma_start3A_30 = tpu.memref_squeeze %dma_start3A_29 : memref<1x10240xf32, #tpu.memory_space<hbm>> -> memref<10240xf32, #tpu.memory_space<hbm>>
      tpu.enqueue_dma source(%arg7 : memref<10240xf32, #tpu.memory_space<vmem>>) target(%dma_start3A_30 : memref<10240xf32, #tpu.memory_space<hbm>>) target_semaphore(%run_scoped3A : memref<!tpu.dma_semaphore, #tpu.memory_space<semaphore_mem>>)
      %dma_wait3A = arith.constant 0 : i32
      %dma_wait3A_31 = tpu.memref_slice %arg5[%add3A, %dma_wait3A] : memref<32x10240xf32, #tpu.memory_space<hbm>> -> memref<1x10240xf32, #tpu.memory_space<hbm>>
      %dma_wait3A_32 = tpu.memref_squeeze %dma_wait3A_31 : memref<1x10240xf32, #tpu.memory_space<hbm>> -> memref<10240xf32, #tpu.memory_space<hbm>>
      %dma_wait3A_33 = arith.constant 0 : i32
      %dma_wait3A_34 = tpu.memref_slice %arg5[%add3A, %dma_wait3A_33] : memref<32x10240xf32, #tpu.memory_space<hbm>> -> memref<1x10240xf32, #tpu.memory_space<hbm>>
      %dma_wait3A_35 = tpu.memref_squeeze %dma_wait3A_34 : memref<1x10240xf32, #tpu.memory_space<hbm>> -> memref<10240xf32, #tpu.memory_space<hbm>>
      tpu.wait_dma2 semaphore(%run_scoped3A : memref<!tpu.dma_semaphore, #tpu.memory_space<semaphore_mem>>) src(%arg7 : memref<10240xf32, #tpu.memory_space<vmem>>) dst(%dma_wait3A_35 : memref<10240xf32, #tpu.memory_space<hbm>>)
      tpu.yield
    }) : () -> ()
    return
  }
}

</mosaic_0001>

<sc_bundles>
// kernel: _degcnt.3.cloned.1.call-start
scs
__scs_entry_jumppad:
0x0: {  	(pc) =	sbr.rel $0x88, $3  }
0x1: {  	(tag) =	ssettag $0x0;
	lr =	simm.s32 $0x1  }
0x2: {  	[smem:$0x3F9F] =	sst lr;
	_ =	strace $0xD0000000  }
0x3: {  	_ = 	snop  }
0x4: {  	_ = 	snop  }
0x5: {  	_ = 	snop  }
0x6: {  	_ = 	snop  }
0x7: {  	_ = 	snop  }
__scs_overlays_trampoline_lowered:
0x8: {  	[smem:$0x3FAE] =	sst s0  }
0x9: {  	[smem:$0x3FAF] =	sst s1  }
0xa: {  	[smem:$0x3FB0] =	sst s2  }
0xb: {  	[smem:$0x3FB1] =	sst s3  }
0xc: {  	[smem:$0x3FB2] =	sst s4  }
0xd: {  	[smem:$0x3FB3] =	sst s5  }
0xe: {  	[smem:$0x3FB4] =	sst s6  }
0xf: {  	[smem:$0x3FB5] =	sst s7  }
0x10: {  	[smem:$0x3FB6] =	sst s8  }
0x11: {  	[smem:$0x3FB7] =	sst s9;
	s0 =	simm.s32 @!p0 $0x0  }
0x12: {  	s1 =	sld [smem:$0x3F9D];
	s0 =	simm.s32 @p0 $0x1  }
0x13: {  	[smem:$0x3FB8] =	sst s0;
	s0 =	simm.s32 @!p1 $0x0  }
0x14: {  	s2 =	sld [smem:$0x3F9C];
	s0 =	simm.s32 @p1 $0x1  }
0x15: {  	[smem:$0x3FB9] =	sst s0;
	s0 =	simm.s32 @!p2 $0x0  }
0x16: {  	s3 =	sld [smem:$0x3FDB];
	s0 =	simm.s32 @p2 $0x1  }
0x17: {  	s4 =	simm.s32 $0x1BF5;
	[smem:$0x3FBB] =	sst s0  }
0x18: {  	s0 =	sld [smem:$0x3F9E];
	_ =	swait.ge [sflag:s4], $0x0  }
0x19: {  	s7 =	sld [smem:$0x3F9F]  }
0x1a: {  	s8 =	sadd.s32 $0xFFFFE003, lr  }
0x1b: {  	s9 =	sadd.s32 $0xFFFFFEF7, lr;
	s5 =	simm.s32 $0xFFFFFFFF;
	p2 =	slt.u32 s8, $0xFFFFF086  }
0x1c: {  	p1 =	slt.u32 s9, $0xF7A;
	s5 =	simm.s32 @!p2 $0x0  }
0x1d: {  	s5 =	simm.s32 @p1 $0x1;
	p0 =	seq.s32 s7, s2  }
0x1e: {  	s7 =	smul.u32 @!p0 $0xF7A, s2;
	p2 =	seq.s32 @!p0 s5, $0x0  }
0x1f: {  	s9 =	smul.u32 $0xF7A, s1;
	s8 =	simm.s32 @!p0 $0x1BF5;
	p2 =	por !p2, p0  }
0x20: {  	[sflag:s8] =	ssyncset.s32 @!p0 $0xFFFFF086;
	s6 =	sadd.s32 @!p0 s3, s7;
	s7 =	simm.s32 @!p0 $0x108  }
0x21: {  	s3 =	sadd.s32 s3, s9;
	s6 =	sadd.s32 @!p0 $0x88, s6;
	s7 =	simm.s32 @p2 $0x1082  }
0x22: {  	[simem:s7], [sflag:s8] =	dma.local @!p0 [hbm:s6], $0xF7A  }
0x23: {  	s9 =	sor.u32 $0xD0000000, s2;
	s6 =	simm.s32 $0x108;
	_ =	swait.ge @!p0 [sflag:s8], $0x0  }
0x24: {  	s3 =	sadd.s32 $0x88, s3;
	s6 =	simm.s32 @!p1 $0x1082;
	[sflag:s4] =	ssyncset.s32 $0xFFFFF086  }
0x25: {  	[simem:s6], [sflag:s4] =	dma.local [hbm:s3], $0xF7A  }
0x26: {  	[smem:$0x3F9F] =	sst s1;
	(tag) =	ssettag s2;
	_ =	strace s9  }
0x27: {  	s1 =	sld [smem:$0x3FAF]  }
0x28: {  	s2 =	sld [smem:$0x3FB0]  }
0x29: {  	s4 =	sld [smem:$0x3FB2]  }
0x2a: {  	p0 =	seq.s32 s5, $0x0;
	s5 =	sld [smem:$0x3FB3]  }
0x2b: {  	s6 =	sld [smem:$0x3FB4]  }
0x2c: {  	s7 =	sld [smem:$0x3FB5]  }
0x2d: {  	s3 =	simm.s32 $0x108;
	s8 =	sld [smem:$0x3FB6]  }
0x2e: {  	s3 =	simm.s32 @!p0 $0x1082;
	s9 =	sld [smem:$0x3FB7]  }
0x2f: {  	lr =	sadd.s32 s0, s3;
	s0 =	sld [smem:$0x3FAE]  }
0x30: {  	s3 =	sld [smem:$0x3FB1]  }
0x31: {  	[smem:$0x3FBA] =	sst s10  }
0x32: {  	s10 =	sld [smem:$0x3FB8];
	_ =	sdelay $0x3  }
0x33: {  	p0 =	seq.s32 s10, $0x1;
	s10 =	sld [smem:$0x3FBA];
	_ =	sdelay $0x3  }
0x34: {  	[smem:$0x3FBA] =	sst s10  }
0x35: {  	s10 =	sld [smem:$0x3FB9];
	_ =	sdelay $0x3  }
0x36: {  	p1 =	seq.s32 s10, $0x1;
	s10 =	sld [smem:$0x3FBA];
	_ =	sdelay $0x3  }
0x37: {  	[smem:$0x3FBA] =	sst s10  }
0x38: {  	s10 =	sld [smem:$0x3FBB]  }
0x39: {  	_ = 	snop;
	(pc) =	sbr.ind lr, $3  }
0x3a: {  	_ = 	snop  }
0x3b: {  	_ = 	snop  }
0x3c: {  	p2 =	seq.s32 s10, $0x1;
	s10 =	sld [smem:$0x3FBA]  }
0x3d: {  	_ =	shalt  }
0x3e: {  	_ =	shalt  }
0x3f: {  	_ =	shalt  }
0x40: {  	_ =	shalt  }
0x41: {  	_ =	shalt  }
0x42: {  	_ =	shalt  }
0x43: {  	_ =	shalt  }
0x44: {  	_ =	shalt  }
0x45: {  	_ =	shalt  }
0x46: {  	_ =	shalt  }
0x47: {  	_ =	shalt  }
0x48: {  	_ =	shalt  }
0x49: {  	_ =	shalt  }
0x4a: {  	_ =	shalt  }
0x4b: {  	_ =	shalt  }
0x4c: {  	_ =	shalt  }
0x4d: {  	_ =	shalt  }
0x4e: {  	_ =	shalt  }
0x4f: {  	_ =	shalt  }
0x50: {  	_ =	shalt  }
0x51: {  	_ =	shalt  }
0x52: {  	_ =	shalt  }
0x53: {  	_ =	shalt  }
0x54: {  	_ =	shalt  }
0x55: {  	_ =	shalt  }
0x56: {  	_ =	shalt  }
0x57: {  	_ =	shalt  }
0x58: {  	_ =	shalt  }
0x59: {  	_ =	shalt  }
0x5a: {  	_ =	shalt  }
0x5b: {  	_ =	shalt  }
0x5c: {  	_ =	shalt  }
0x5d: {  	_ =	shalt  }
0x5e: {  	_ =	shalt  }
0x5f: {  	_ =	shalt  }
0x60: {  	_ =	shalt  }
0x61: {  	_ =	shalt  }
0x62: {  	_ =	shalt  }
0x63: {  	_ =	shalt  }
0x64: {  	_ =	shalt  }
0x65: {  	_ =	shalt  }
0x66: {  	_ =	shalt  }
0x67: {  	_ =	shalt  }
0x68: {  	_ =	shalt  }
0x69: {  	_ =	shalt  }
0x6a: {  	_ =	shalt  }
0x6b: {  	_ =	shalt  }
0x6c: {  	_ =	shalt  }
0x6d: {  	_ =	shalt  }
0x6e: {  	_ =	shalt  }
0x6f: {  	_ =	shalt  }
0x70: {  	_ =	shalt  }
0x71: {  	_ =	shalt  }
0x72: {  	_ =	shalt  }
0x73: {  	_ =	shalt  }
0x74: {  	_ =	shalt  }
0x75: {  	_ =	shalt  }
0x76: {  	_ =	shalt  }
0x77: {  	_ =	shalt  }
0x78: {  	_ =	shalt  }
0x79: {  	_ =	shalt  }
0x7a: {  	_ =	shalt  }
0x7b: {  	_ =	shalt  }
0x7c: {  	_ =	shalt  }
0x7d: {  	_ =	shalt  }
0x7e: {  	_ =	shalt  }
0x7f: {  	_ =	shalt  }
0x80: {  	_ =	shalt  }
0x81: {  	_ =	shalt  }
0x82: {  	_ =	shalt  }
0x83: {  	_ =	shalt  }
0x84: {  	_ =	shalt  }
0x85: {  	_ =	shalt  }
0x86: {  	_ =	shalt  }
0x87: {  	_ =	shalt  }
.Lfunc_end0:
.L_simem_size_0:
called_computation_lowered:
.L_overlay_start_0:
0x88: {  	s2 =	sld [smem:$0x3FD9]  }
0x89: {  	s3 =	sld [smem:$0x3FFE];
	_ =	sdelay $0x1  }
0x8a: {  	s1 =	srdreg.scid  }
0x8b: {  	s0 =	sand.u32 $0x1, s1  }
0x8c: {  	s15 =	sshll.u32 s0, $0xA;
	s2 =	sadd.s32 s3, s2  }
0x8d: {  	s2 =	sadd.s32 s2, s15  }
0x8e: {  	[smem:$0x3FC6] =	sst s2  }
0x8f: {  	_ = 	snop  }
0x90: {  	s2 =	sld [smem:$0x3FD0];
	_ =	sdelay $0x1  }
0x91: {  	s16 =	sld [smem:$0x3FC9]  }
0x92: {  	s5 =	simm.s32 $0xA;
	s6 =	simm.s32 $0x10;
	s4 =	sld [smem:$0x3FC8]  }
0x93: {  	[smem:s6], [sflag:s5] =	dma.local [hbm:s2], $0x1  }
0x94: {  	_ =	swait.eq [sflag:s5], $0x1  }
0x95: {  	[sflag:s5] =	ssyncset.done $0x0  }
0x96: {  	s17 =	sld [smem:$0x10];
	[sflag:s5] =	ssyncadd.s32 $0xFFFFFFFF  }
0x97: {  	s18 =	sld [smem:$0x11];
	(tm) =	ssettm $0x1  }
0x98: {  	s19 =	sld [smem:$0x3FFB];
	_ =	sdelay $0x3  }
0x99: {  	_ =	strace s19  }
0x9a: {  	s6 =	sld [smem:$0x3FFC];
	_ =	sdelay $0x3  }
0x9b: {  	_ =	strace s6  }
0x9c: {  	s6 =	sld [smem:$0x3FFD];
	_ =	sdelay $0x3  }
0x9d: {  	_ =	strace s6  }
0x9e: {  	_ =	strace $0x8FFFFFFF  }
0x9f: {  	s20 =	sld [smem:$0x3FDB];
	_ =	sdelay $0x1  }
0xa0: {  	s7 =	simm.s32 $_scs_section_size  }
0xa1: {  	s8 =	simm.s32 $_size__tile_overlayer_lowered;
	s9 =	simm.s32 $_tile_overlayer_lowered  }
0xa2: {  	s23 =	simm.s32 $0x1BFF;
	s22 =	sshll.u32 s9, $0x1;
	s6 =	sadd.s32 s7, s20  }
0xa3: {  	s10 =	simm.s32 $0x0;
	s21 =	sshll.u32 s8, $0x1;
	s8 =	sadd.s32 s22, s6  }
0xa4: {  	[timem:s10], [sflag:s23] =	dma.local [hbm:s8], s21  }
0xa5: {  	_ =	swait.ge [sflag:s23], s21  }
0xa6: {  	s7 =	ssub.s32 $0x0, s21;
	[sflag:s23] =	ssyncset.done $0x0  }
0xa7: {  	[sflag:s23] =	ssyncadd.s32 s7;
	_ =	sdelay $0x1  }
0xa8: {  	s24 =	simm.s32 $0x1B8B  }
0xa9: {  	_ =	swait.ge [sflag:s24], $0x1  }
0xaa: {  	[sflag:s24] =	ssyncset.done $0x0  }
0xab: {  	s25 =	simm.s32 $0x1B8E;
	[sflag:s24] =	ssyncadd.s32 $0xFFFFFFFF  }
0xac: {  	s26 =	simm.s32 $execute0_lowered;
	[smem:$0x3FD2] =	sst s25  }
0xad: {  	s7 =	sshll.u32 s26, $0x1;
	_ =	strace $0x80000046;
	[dreg:$0x1] =	wrdreg $0xFFFFFFFF  }
0xae: {  	s28 =	simm.s32 $_size_execute0_lowered;
	s6 =	sadd.s32 s6, s7;
	[dreg:$0x0] =	wrdreg $0x0  }
0xaf: {  	s7 =	sshll.u32 s28, $0x1;
	[dreg:$0x2] =	wrdreg s6  }
0xb0: {  	[dreg:$0x3] =	wrdreg s7  }
0xb1: {  	[dreg:$0x4] =	wrdreg $0xC0  }
0xb2: {  	_ =	task [dreg:s10], $0x5FFFF  }
0xb3: {  	[dreg:$0x1] =	wrdreg $0xFFFFFFFF  }
0xb4: {  	[dreg:$0x0] =	wrdreg $0x60  }
0xb5: {  	[dreg:$0x2] =	wrdreg s16  }
0xb6: {  	[dreg:$0x3] =	wrdreg s4  }
0xb7: {  	[dreg:$0x4] =	wrdreg s17  }
0xb8: {  	[dreg:$0x5] =	wrdreg s18  }
0xb9: {  	[dreg:$0x6] =	wrdreg $0x9  }
0xba: {  	_ =	task.clear_ibuf [dreg:s10], $0x7FFFF;
	_ =	strace $0x90000046  }
0xbb: {  	s29 =	simm.s32 $0x9;
	_ =	strace $0x80000048  }
0xbc: {  	_ =	swait.ge [sflag:s29], $0x1  }
0xbd: {  	[sflag:s29] =	ssyncadd.s32 $0xFFFFFFFF  }
0xbe: {  	_ =	strace $0x90000048  }
0xbf: {  	_ =	sfence  }
0xc0: {  	s30 =	sld [smem:$0x0];
	_ =	sdelay $0x2  }
0xc1: {  	s31 =	sshll.u32 s1, $0xD;
	s1 =	sshrl.u32 s1, $0x2  }
0xc2: {  	s3 =	sand.u32 $0x4000, s31;
	s1 =	sadd.s32 s1, s30  }
0xc3: {  	s0 =	sor.u32 s3, s0;
	s1 =	sshll.u32 s1, $0x11  }
0xc4: {  	s0 =	sor.u32 s1, s0  }
0xc5: {  	s0 =	sadd.s32 $0x8F2B, s0  }
0xc6: {  	[sflag:s0] =	ssyncadd.remote.s32 $0x1  }
0xc7: {  	_ =	sfence.sel $0xFFFF  }
0xc8: {  	[dreg:$0x0] =	wrdreg $0xFFFFFFFF;
	(pc) =	sbr.abs _section_cstart, $3  }
0xc9: {  	[dreg:$0x1] =	wrdreg $0xFFFFFFFF  }
0xca: {  	_ =	task.clear_ibuf [dreg:s10], $0x2FFFF;
	_ =	strace $0x9FFFFFFF  }
0xcb: {  	(tm) =	ssettm $0x7FFFFFFF  }
tec
execute0_lowered:
.L_overlay_start_1:
0x0: {  	(tag) =	ssettag $0x1  }
0x1: {  	s1 =	rddreg [dreg:$0x0]  }
0x2: {  	s2 =	rddreg [dreg:$0x1]  }
0x3: {  	s3 =	srdreg.scid;
	s6 =	rddreg [dreg:$0x2]  }
0x4: {  	s0 =	stileid.u32;
	s8 =	rddreg [dreg:$0x3];
	s4 =	simm.s32 $0x0  }
0x5: {  	s11 =	simm.s32 $0x5800;
	s12 =	simm.s32 $0x2800;
	s13 =	simm.s32 $0x80  }
0x6: {  	s14 =	simm.s32 $0x400;
	s5 =	sand.u32 $0x1, s3;
	s29 =	sshll.u32 s0, $0x1  }
0x7: {  	s15 =	simm.s32 $0x0;
	s30 =	sshrl.u32 s0, $0x2;
	s7 =	sor.u32 s5, s29  }
0x8: {  	s19 =	simm.s32 $0x0;
	s9 =	smul.u32 $0x14000, s30;
	s10 =	sshll.u32 s7, $0x7  }
0x9: {  	s3 =	rddreg [dreg:$0x4];
	s5 =	ssub.s32 $0x2, s5;
	s10 =	sand.u32 $0x380, s10  }
0xa: {  	[smem:$0x7FF] =	sst s4;
	s31 =	sshrl.u32 s5, $0x1;
	s9 =	sor.u32 s9, s10  }
0xb: {  	_ =	strace $0x80000047;
	s10 =	ssub.s32 s5, s31;
	s9 =	sshrl.u32 s9, $0x3  }
0xc: {  	s5 =	smul.u32 $0x2710, s7;
	s6 =	sadd.s32 s6, s9;
	s7 =	sadd.s32 s8, s9  }
0xd: {  	v0 =	vimm.f32 $0.0e+00;
	v1 =	vimm.f32 $1.000000000e+00;
	s8 =	smax.u32 s10, $0x1;
	s9 =	simm.s32 $0x5000;
	s10 =	simm.s32 $0x1  }
.LBB2_1:
0xe: {  	s16 =	simm.s32 $0x40;
	s17 =	simm.s32 $0x0  }
.LBB2_2:
0xf: {  	p0 =	sne.s32 s16, $0x9FC0;
	[tilespmem:s17+$0x0] =	vst v0;
	s17 =	smov.u32 s16;
	s16 =	sadd.s32 $0x40, s16  }
.Ltmp0:
0x10: {  	(pc) =	sbr.rel @p0 .LBB2_2-.Ltmp0, $2  }
0x11: {  	_ =	sdelay $0x2  }
0x12: {  	s17 =	sshra.s32 s17, $0x2  }
0x13: {  	[tilespmem:s17+$0x0] =	vst v0;
	s16 =	simm.s32 $0x0;
	s17 =	simm.s32 $0x40;
	s18 =	simm.s32 $0x0  }
.LBB2_4:
0x14: {  	p0 =	sne.s32 s17, $0x9FC0;
	[tilespmem:s18+$0x2800] =	vst v0;
	s18 =	smov.u32 s17;
	s17 =	sadd.s32 $0x40, s17  }
.Ltmp1:
0x15: {  	(pc) =	sbr.rel @p0 .LBB2_4-.Ltmp1, $2  }
0x16: {  	_ =	sdelay $0x2  }
0x17: {  	s18 =	sshra.s32 s18, $0x2  }
0x18: {  	[tilespmem:s18+$0x2800] =	vst v0  }
.LBB2_6:
0x19: {  	s17 =	smul.u32 $0x7D0, s16;
	_ =	sdelay $0x1  }
0x1a: {  	s17 =	sadd.s32 s5, s17  }
0x1b: {  	s17 =	sshrl.u32 s17, $0x3  }
0x1c: {  	s18 =	sadd.s32 s1, s17  }
0x1d: {  	[tilespmem:s9], [sflag:$0x1] =	stream.linear.gather [hbm4b:s18+s19], $0x7D0, $0x38;
	[tilespmem:$0x6000] =	vst v63  }
0x1e: {  	_ =	swait.ge [sflag:s10], $0x7D0  }
0x1f: {  	[sflag:s10] =	ssyncset.done $0x0  }
0x20: {  	s17 =	sadd.s32 s2, s17;
	[sflag:s10] =	ssyncadd.s32 $0xFFFFF830  }
0x21: {  	[tilespmem:s11], [sflag:$0x1] =	stream.linear.gather [hbm4b:s17+s19], $0x7D0, $0x38;
	[tilespmem:$0x6000] =	vst v63  }
0x22: {  	_ =	swait.ge [sflag:s10], $0x7D0  }
0x23: {  	[sflag:s10] =	ssyncset.done $0x0  }
0x24: {  	s18 =	simm.s32 $0x0;
	[sflag:s10] =	ssyncadd.s32 $0xFFFFF830  }
0x25: {  	s17 =	simm.s32 $0x40;
	v2 =	vld [tilespmem:s18+$0x5000]  }
.LBB2_7:
0x26: {  	p0 =	sne.s32 s17, $0x1F00;
	v3 =	vld [tilespmem:s18+$0x5800];
	_ =	sdelay $0x4  }
.Ltmp2:
0x27: {  	(pc) =	sbr.rel @p0 .LBB2_7-.Ltmp2, $4  }
0x28: {  	_ = 	snop  }
0x29: {  	[tilespmem:v2+s4+$0x0] =	vst.idx.add.f32.msk $0xffff, v1  }
0x2a: {  	s18 =	sshra.s32 s17, $0x2;
	[tilespmem:v3+s12+$0x0] =	vst.idx.add.f32.msk $0xffff, v1  }
0x2b: {  	s17 =	sadd.s32 $0x40, s17;
	v2 =	vld [tilespmem:s18+$0x5000]  }
0x2c: {  	_ = 	snop  }
0x2d: {  	v3 =	vld [tilespmem:s18+$0x5800];
	_ =	sdelay $0x1  }
0x2e: {  	s16 =	sadd.s32 $0x1, s16  }
0x2f: {  	p0 =	sne.s32 s16, $0x5  }
.Ltmp3:
0x30: {  	_ = 	snop;
	(pc) =	sbr.rel @p0 .LBB2_6-.Ltmp3, $3  }
0x31: {  	_ =	sdelay $0x1  }
0x32: {  	[tilespmem:v2+s4+$0x0] =	vst.idx.add.f32.msk $0xffff, v1  }
0x33: {  	[tilespmem:v3+s12+$0x0] =	vst.idx.add.f32.msk $0xffff, v1  }
0x34: {  	[hbm4b:s6+s13] =	stream.strided.scatter [tilespmem:s4], [sflag:$0x1], $0x2800, s14, s13, $0x38;
	[tilespmem:$0x6000] =	vst v63  }
0x35: {  	s15 =	sadd.s32 $0x1, s15;
	_ =	swait.ge [sflag:s10], $0x2800  }
0x36: {  	p0 =	sne.s32 s15, s8;
	[sflag:s10] =	ssyncset.done $0x0  }
.Ltmp4:
0x37: {  	[sflag:s10] =	ssyncadd.s32 $0xFFFFD800;
	(pc) =	sbr.rel @p0 .LBB2_1-.Ltmp4, $4  }
0x38: {  	[hbm4b:s7+s13] =	stream.strided.scatter [tilespmem:s12], [sflag:$0x1], $0x2800, s14, s13, $0x38;
	[tilespmem:$0x6000] =	vst v63  }
0x39: {  	_ =	swait.ge [sflag:s10], $0x2800  }
0x3a: {  	[sflag:s10] =	ssyncset.done $0x0  }
0x3b: {  	[sflag:s10] =	ssyncadd.s32 $0xFFFFD800  }
0x3c: {  	_ =	sfence.sel $0x180000  }
0x3d: {  	[bflag:$0x0] =	sbarrier.arrive $0xFFFF  }
0x3e: {  	p0 =	sne.s32 s0, $0x0;
	_ =	strace $0x90000047  }
0x3f: {  	s0 =	sadd.s32 @!p0 $0x100000, s3;
	[bflag:$0x2] =	sbarrier.arrive $0xFFFF  }
0x40: {  	[sflag:s0] =	ssyncadd.tile.s32 @!p0 $0x1;
	_ =	shalt  }
.Lfunc_end2:
_tile_overlayer_lowered:
.L_overlay_start_2:
0x41: {  	(tag) =	ssettag $0x2  }
0x42: {  	s0 =	rddreg [dreg:$0x0];
	s2 =	stileid.u32  }
0x43: {  	s1 =	rddreg [dreg:$0x1];
	p0 =	sne.s32 s2, $0x0  }
0x44: {  	s3 =	rddreg [dreg:$0x2];
	[bflag:$0x3] =	sbarrier.arrive $0xFFFF;
	s2 =	simm.s32 @!p0 $0x1C01  }
0x45: {  	[timem:s3], [sflag:s2] =	dma.local @!p0 [hbm:s0], s1  }
0x46: {  	s0 =	simm.s32 @!p0 $0x1  }
0x47: {  	_ =	swait.ge @!p0 [sflag:s0], s1  }
0x48: {  	s1 =	ssub.s32 @!p0 $0x0, s1;
	[sflag:s0] =	ssyncset.done @!p0 $0x0  }
0x49: {  	[sflag:s0] =	ssyncadd.s32 @!p0 s1  }
0x4a: {  	[bflag:$0x3] =	sbarrier.arrive $0xFFFF  }
0x4b: {  	_ =	shalt  }

</sc_bundles>
